<compile_context>
chip_gen: v7x
topology: tpu7x:2x2x1
jax: 0.10.2.dev20260603
libtpu: 0.0.44.dev20260713+nightly
codegen_flags: <defaults>
</compile_context>

<pallas_src>
import functools

import jax
import jax.numpy as jnp
from jax import lax
from jax.experimental import pallas as pl
from jax.experimental.pallas import tpu as pltpu
from jax.experimental.pallas import tpu_sc as plsc

POOL_SIZE = 100000
POOL_DIM = 256
MAX_K = 64

POOL_PAD = 100352
N_BLOCK = 6272
M_BLOCK = 256
N_CHUNKS = POOL_PAD // 128
CHUNKS_PER_BLOCK = N_BLOCK // 128
N_CHUNKS_PAD = 896

import numpy as np

NEG = np.float32(-np.inf)
IMAX = np.int32(2147483647)


def _score_kernel(q_ref, e_ref, o_ref, cmax_ref):
    j = pl.program_id(1)
    s = jax.lax.dot_general(
        q_ref[...], e_ref[...],
        dimension_numbers=(((1,), (1,)), ((), ())),
        preferred_element_type=jnp.float32,
    )
    col = j * N_BLOCK + jax.lax.broadcasted_iota(jnp.int32, s.shape, 1)
    s = jnp.where(col < POOL_SIZE, s, NEG)
    o_ref[...] = s
    cm = jnp.max(s.reshape(M_BLOCK, CHUNKS_PER_BLOCK, 128), axis=2)
    pad = jnp.full((M_BLOCK, 128 - CHUNKS_PER_BLOCK), NEG, jnp.float32)
    cmax_ref[...] = jnp.concatenate([cm, pad], axis=1)


def _scores(flat_q, emb_pad):
    m = flat_q.shape[0]
    grid = (m // M_BLOCK, POOL_PAD // N_BLOCK)
    return pl.pallas_call(
        _score_kernel,
        grid=grid,
        in_specs=[
            pl.BlockSpec((M_BLOCK, POOL_DIM), lambda i, j: (i, 0)),
            pl.BlockSpec((N_BLOCK, POOL_DIM), lambda i, j: (j, 0)),
        ],
        out_specs=[
            pl.BlockSpec((M_BLOCK, N_BLOCK), lambda i, j: (i, j)),
            pl.BlockSpec((M_BLOCK, 128), lambda i, j: (i, j)),
        ],
        out_shape=[
            jax.ShapeDtypeStruct((m, POOL_PAD), jnp.float32),
            jax.ShapeDtypeStruct((m, 16 * 128), jnp.float32),
        ],
        compiler_params=pltpu.CompilerParams(
            dimension_semantics=("parallel", "parallel")),
    )(flat_q, emb_pad)


def _topk_chunk_kernel(v_ref, o_ref):
    rows, n = v_ref.shape
    v = v_ref[...]
    gidx = jax.lax.broadcasted_iota(jnp.int32, (rows, n), 1)
    slot = jax.lax.broadcasted_iota(jnp.int32, (rows, MAX_K), 1)
    out0 = jnp.zeros((rows, MAX_K), jnp.int32)

    def body(i, carry):
        v, out = carry
        m = jnp.max(v, axis=1, keepdims=True)
        gi = jnp.min(jnp.where(v == m, gidx, IMAX), axis=1, keepdims=True)
        out = jnp.where(slot == i, gi, out)
        v = jnp.where(gidx == gi, NEG, v)
        return v, out

    _, out = lax.fori_loop(0, MAX_K, body, (v, out0))
    o_ref[...] = out


def _topk_chunks(cmax_pad):
    m = cmax_pad.shape[0]
    rb = 512
    return pl.pallas_call(
        _topk_chunk_kernel,
        grid=(m // rb,),
        in_specs=[pl.BlockSpec((rb, N_CHUNKS_PAD), lambda i: (i, 0))],
        out_specs=pl.BlockSpec((rb, MAX_K), lambda i: (i, 0)),
        out_shape=jax.ShapeDtypeStruct((m, MAX_K), jnp.int32),
        compiler_params=pltpu.CompilerParams(
            dimension_semantics=("parallel",)),
    )(cmax_pad)


def _topk_cand_kernel(c_ref, cid_ref, o_ref):
    rows = c_ref.shape[0]
    v = c_ref[...]
    cid = cid_ref[...]
    lane = jax.lax.broadcasted_iota(jnp.int32, v.shape, 2)
    gidx = cid[:, :, None] * 128 + lane
    slot = jax.lax.broadcasted_iota(jnp.int32, (rows, MAX_K), 1)
    out0 = jnp.zeros((rows, MAX_K), jnp.int32)

    def body(i, carry):
        v, out = carry
        m = jnp.max(v, axis=(1, 2), keepdims=True)
        gi = jnp.min(jnp.where(v == m, gidx, IMAX), axis=(1, 2), keepdims=True)
        out = jnp.where(slot == i, gi[:, :, 0], out)
        v = jnp.where(gidx == gi, NEG, v)
        return v, out

    _, out = lax.fori_loop(0, MAX_K, body, (v, out0))
    o_ref[...] = out


def _topk_cands(cands, chunk_ids):
    m = cands.shape[0]
    rb = 128
    return pl.pallas_call(
        _topk_cand_kernel,
        grid=(m // rb,),
        in_specs=[
            pl.BlockSpec((rb, MAX_K, 128), lambda i: (i, 0, 0)),
            pl.BlockSpec((rb, MAX_K), lambda i: (i, 0)),
        ],
        out_specs=pl.BlockSpec((rb, MAX_K), lambda i: (i, 0)),
        out_shape=jax.ShapeDtypeStruct((m, MAX_K), jnp.int32),
        compiler_params=pltpu.CompilerParams(
            dimension_semantics=("parallel",)),
    )(cands, chunk_ids)


B_TOT = 1024 * MAX_K
CHUNK = 128
N_PAD_ROWS = POOL_PAD - POOL_SIZE


def _gather_sc(table, idx_flat):
    n_idx = idx_flat.shape[0]
    width = table.shape[1]
    info = plsc.get_sparse_core_info()
    nw = info.num_cores * info.num_subcores
    b_per_w = n_idx // nw
    n_chunk = b_per_w // CHUNK
    mesh = plsc.VectorSubcoreMesh(core_axis_name="c", subcore_axis_name="s")

    @functools.partial(
        pl.kernel, mesh=mesh,
        out_type=jax.ShapeDtypeStruct((n_idx, width), jnp.float32),
        scratch_types=[
            pltpu.VMEM((CHUNK,), jnp.int32),
            pltpu.VMEM((CHUNK, width), jnp.float32),
            pltpu.SemaphoreType.DMA,
        ],
    )
    def k(table_hbm, idx_hbm, out_hbm, idx_v, rows_v, sem):
        wid = lax.axis_index("s") * info.num_cores + lax.axis_index("c")
        base = wid * b_per_w

        def body(i, carry):
            off = base + i * CHUNK
            pltpu.sync_copy(idx_hbm.at[pl.ds(off, CHUNK)], idx_v)
            pltpu.async_copy(table_hbm.at[idx_v], rows_v, sem).wait()
            pltpu.sync_copy(rows_v, out_hbm.at[pl.ds(off, CHUNK)])
            return carry

        lax.fori_loop(0, n_chunk, body, 0)

    return k(table, idx_flat)


def kernel(query_hidden, embeddings, k_predicted, phase_idx):
    batch, seq, dim = query_hidden.shape
    flat_q = query_hidden.reshape(-1, dim)
    emb_pad = jnp.pad(embeddings, ((0, POOL_PAD - POOL_SIZE), (0, 0)))
    scores, cmax = _scores(flat_q, emb_pad)
    m = flat_q.shape[0]
    cmax_c = cmax.reshape(m, 16, 128)[:, :, :CHUNKS_PER_BLOCK].reshape(m, N_CHUNKS)
    cmax_c = jnp.pad(cmax_c, ((0, 0), (0, N_CHUNKS_PAD - N_CHUNKS)),
                     constant_values=-jnp.inf)
    chunk_ids = _topk_chunks(cmax_c)

    row = jax.lax.iota(jnp.int32, m)[:, None]
    cand_idx = (row * N_CHUNKS + chunk_ids).reshape(-1)
    score_rows = scores.reshape(m * N_CHUNKS, 128)
    cands = _gather_sc(score_rows, cand_idx).reshape(m, MAX_K, 128)

    top_indices = _topk_cands(cands, chunk_ids)

    iota = jax.lax.iota(jnp.int32, MAX_K)[None, :]
    flat_k = k_predicted.reshape(-1, 1)
    flat_pos = jax.lax.iota(jnp.int32, B_TOT).reshape(-1, MAX_K)
    pad_idx = POOL_SIZE + flat_pos % N_PAD_ROWS
    idx_flat = jnp.where(iota < flat_k, top_indices, pad_idx).reshape(-1)
    retrieved = _gather_sc(emb_pad, idx_flat)
    return retrieved.reshape(batch, seq, MAX_K, dim)

# --- scband reference (transcript-rebuilt; emitter-appended) ---
"""Pipeline reference for scband-dpsnr-61546881351934 (READ-ONLY COPY).

The authoritative reference and input builder live on the scoring server;
editing this copy changes nothing except your own understanding.
"""

import jax, jax.numpy as jnp
import numpy as np

POOL_SIZE = 100000
POOL_DIM = 256
MAX_K = 64
BATCH = 4
SEQ = 256


def setup_inputs(seed: int = 0) -> dict:
    key = jax.random.key(seed)
    k1, k2, k3 = jax.random.split(key, 3)
    query_hidden = jax.random.normal(k1, (BATCH, SEQ, POOL_DIM), dtype=jnp.float32)
    # learned pool embeddings, normal(stddev=0.02) per MassivePool.setup
    embeddings = jax.random.normal(k2, (POOL_SIZE, POOL_DIM), dtype=jnp.float32) * 0.02
    k_predicted = jax.random.randint(k3, (BATCH, SEQ), 0, MAX_K).astype(jnp.int32)
    phase_idx = 0
    return {
        "query_hidden": query_hidden,
        "embeddings": embeddings,
        "k_predicted": k_predicted,
        "phase_idx": phase_idx,
    }


def reference(query_hidden, embeddings, k_predicted, phase_idx):
    # Faithful translation of MassivePool.__call__ (the retrieval_knn core of DPSNR)
    batch, seq, dim = query_hidden.shape
    flat_query = query_hidden.reshape(-1, dim)
    scores = jnp.dot(flat_query, embeddings.T)
    top_scores, top_indices = jax.lax.top_k(scores, k=MAX_K)
    iota = jax.lax.iota(jnp.int32, MAX_K)
    iota = jnp.expand_dims(iota, 0)
    flat_k = k_predicted.reshape(-1, 1)
    mask = (iota < flat_k).astype(jnp.float32)
    retrieved = embeddings[top_indices]
    retrieved = retrieved * mask[:, :, None]
    return retrieved.reshape(batch, seq, MAX_K, dim)

if __name__ == "__main__":
    import jax
    _d = setup_inputs()
    print(jax.jit(kernel)(*tuple(_d.values())))

</pallas_src>

<mosaic_0001>
#map = affine_map<(d0, d1) -> (0, 0)>
#map1 = affine_map<(d0, d1) -> (0)>
module attributes {stable_mosaic.version = 14 : i64} {
  func.func @k(%arg0: i32, %arg1: i32, %arg2: memref<802816x128xf32, #tpu.memory_space<hbm>>, %arg3: memref<65536xi32, #tpu.memory_space<hbm>>, %arg4: memref<65536x128xf32, #tpu.memory_space<hbm>>, %arg5: memref<128xi32, #tpu.memory_space<vmem>>, %arg6: memref<128x128xf32, #tpu.memory_space<vmem>>, %arg7: memref<!tpu.dma_semaphore, #tpu.memory_space<semaphore_mem>>) attributes {dimension_semantics = [#tpu.dimension_semantics<core_parallel>, #tpu.dimension_semantics<subcore_parallel>], iteration_bounds = array<i64: 2, 16>, scalar_prefetch = 0 : i64, scratch_operands = 3 : i64, tpu.core_type = #tpu.core_type<sc_vector_subcore>, window_params = [{transform_indices = #map}, {transform_indices = #map1}, {transform_indices = #map}]} {
    %mul3A = arith.constant 2 : i32
    %mul3A_0 = arith.muli %arg1, %mul3A : i32
    %add3A = arith.addi %mul3A_0, %arg0 : i32
    %mul3A_1 = arith.constant 2048 : i32
    %mul3A_2 = arith.muli %add3A, %mul3A_1 : i32
    %scan3A = arith.constant 0 : i32
    %scan3A_3 = arith.constant 0 : i32
    %scan3A_4 = arith.constant 16 : i32
    %scan3A_5 = arith.addi %scan3A_3, %scan3A_4 : i32
    %scan3A_6 = arith.constant 1 : i32
    scf.for %scan3A_8 = %scan3A_3 to %scan3A_5 step %scan3A_6  : i32 {
      %mul3A_9 = arith.constant 128 : i32
      %mul3A_10 = arith.muli %scan3A_8, %mul3A_9 : i32
      %add3A_11 = arith.addi %mul3A_2, %mul3A_10 : i32
      "tpu.region"() ({
        %run_scoped3A = tpu.sem_alloc : memref<!tpu.dma_semaphore, #tpu.memory_space<semaphore_mem>>
        %dma_start3A_16 = tpu.memref_slice %arg3[%add3A_11] : memref<65536xi32, #tpu.memory_space<hbm>> -> memref<128xi32, #tpu.memory_space<hbm>>
        %dma_start3A_17 = tpu.memref_slice %arg3[%add3A_11] : memref<65536xi32, #tpu.memory_space<hbm>> -> memref<128xi32, #tpu.memory_space<hbm>>
        tpu.enqueue_dma source(%dma_start3A_17 : memref<128xi32, #tpu.memory_space<hbm>>) target(%arg5 : memref<128xi32, #tpu.memory_space<vmem>>) target_semaphore(%run_scoped3A : memref<!tpu.dma_semaphore, #tpu.memory_space<semaphore_mem>>)
        %dma_wait3A_18 = tpu.memref_slice %arg3[%add3A_11] : memref<65536xi32, #tpu.memory_space<hbm>> -> memref<128xi32, #tpu.memory_space<hbm>>
        %dma_wait3A_19 = tpu.memref_slice %arg3[%add3A_11] : memref<65536xi32, #tpu.memory_space<hbm>> -> memref<128xi32, #tpu.memory_space<hbm>>
        tpu.wait_dma2 semaphore(%run_scoped3A : memref<!tpu.dma_semaphore, #tpu.memory_space<semaphore_mem>>) src(%dma_wait3A_19 : memref<128xi32, #tpu.memory_space<hbm>>) dst(%arg5 : memref<128xi32, #tpu.memory_space<vmem>>)
        tpu.yield
      }) : () -> ()
      %dma_start3A = arith.constant 0 : i32
      %dma_start3A_12 = arith.constant 0 : i32
      %dma_start3A_13 = tpu.memref_slice %arg2[%dma_start3A, %dma_start3A_12] : memref<802816x128xf32, #tpu.memory_space<hbm>> -> memref<802816x128xf32, #tpu.memory_space<hbm>>
      tpu.enqueue_indirect_dma source(%dma_start3A_13 : memref<802816x128xf32, #tpu.memory_space<hbm>>) target(%arg6 : memref<128x128xf32, #tpu.memory_space<vmem>>) offsets(%arg5 : memref<128xi32, #tpu.memory_space<vmem>>) semaphore(%arg7 : memref<!tpu.dma_semaphore, #tpu.memory_space<semaphore_mem>>)
      %dma_wait3A = arith.constant 0 : i32
      %dma_wait3A_14 = arith.constant 0 : i32
      %dma_wait3A_15 = tpu.memref_slice %arg2[%dma_wait3A, %dma_wait3A_14] : memref<802816x128xf32, #tpu.memory_space<hbm>> -> memref<802816x128xf32, #tpu.memory_space<hbm>>
      tpu.wait_indirect_dma semaphore(%arg7 : memref<!tpu.dma_semaphore, #tpu.memory_space<semaphore_mem>>) src(%dma_wait3A_15 : memref<802816x128xf32, #tpu.memory_space<hbm>>) dst(%arg6 : memref<128x128xf32, #tpu.memory_space<vmem>>)
      "tpu.region"() ({
        %run_scoped3A = tpu.sem_alloc : memref<!tpu.dma_semaphore, #tpu.memory_space<semaphore_mem>>
        %dma_start3A_16 = arith.constant 0 : i32
        %dma_start3A_17 = tpu.memref_slice %arg4[%add3A_11, %dma_start3A_16] : memref<65536x128xf32, #tpu.memory_space<hbm>> -> memref<128x128xf32, #tpu.memory_space<hbm>>
        %dma_start3A_18 = arith.constant 0 : i32
        %dma_start3A_19 = tpu.memref_slice %arg4[%add3A_11, %dma_start3A_18] : memref<65536x128xf32, #tpu.memory_space<hbm>> -> memref<128x128xf32, #tpu.memory_space<hbm>>
        tpu.enqueue_dma source(%arg6 : memref<128x128xf32, #tpu.memory_space<vmem>>) target(%dma_start3A_19 : memref<128x128xf32, #tpu.memory_space<hbm>>) target_semaphore(%run_scoped3A : memref<!tpu.dma_semaphore, #tpu.memory_space<semaphore_mem>>)
        %dma_wait3A_20 = arith.constant 0 : i32
        %dma_wait3A_21 = tpu.memref_slice %arg4[%add3A_11, %dma_wait3A_20] : memref<65536x128xf32, #tpu.memory_space<hbm>> -> memref<128x128xf32, #tpu.memory_space<hbm>>
        %dma_wait3A_22 = arith.constant 0 : i32
        %dma_wait3A_23 = tpu.memref_slice %arg4[%add3A_11, %dma_wait3A_22] : memref<65536x128xf32, #tpu.memory_space<hbm>> -> memref<128x128xf32, #tpu.memory_space<hbm>>
        tpu.wait_dma2 semaphore(%run_scoped3A : memref<!tpu.dma_semaphore, #tpu.memory_space<semaphore_mem>>) src(%arg6 : memref<128x128xf32, #tpu.memory_space<vmem>>) dst(%dma_wait3A_23 : memref<128x128xf32, #tpu.memory_space<hbm>>)
        tpu.yield
      }) : () -> ()
    }
    %scan3A_7 = arith.constant 16 : i32
    return
  }
}

#map = affine_map<(d0, d1) -> (0, 0)>
#map1 = affine_map<(d0, d1) -> (0)>
module attributes {stable_mosaic.version = 14 : i64} {
  func.func @k(%arg0: i32, %arg1: i32, %arg2: memref<100352x256xf32, #tpu.memory_space<hbm>>, %arg3: memref<65536xi32, #tpu.memory_space<hbm>>, %arg4: memref<65536x256xf32, #tpu.memory_space<hbm>>, %arg5: memref<128xi32, #tpu.memory_space<vmem>>, %arg6: memref<128x256xf32, #tpu.memory_space<vmem>>, %arg7: memref<!tpu.dma_semaphore, #tpu.memory_space<semaphore_mem>>) attributes {dimension_semantics = [#tpu.dimension_semantics<core_parallel>, #tpu.dimension_semantics<subcore_parallel>], iteration_bounds = array<i64: 2, 16>, scalar_prefetch = 0 : i64, scratch_operands = 3 : i64, tpu.core_type = #tpu.core_type<sc_vector_subcore>, window_params = [{transform_indices = #map}, {transform_indices = #map1}, {transform_indices = #map}]} {
    %mul3A = arith.constant 2 : i32
    %mul3A_0 = arith.muli %arg1, %mul3A : i32
    %add3A = arith.addi %mul3A_0, %arg0 : i32
    %mul3A_1 = arith.constant 2048 : i32
    %mul3A_2 = arith.muli %add3A, %mul3A_1 : i32
    %scan3A = arith.constant 0 : i32
    %scan3A_3 = arith.constant 0 : i32
    %scan3A_4 = arith.constant 16 : i32
    %scan3A_5 = arith.addi %scan3A_3, %scan3A_4 : i32
    %scan3A_6 = arith.constant 1 : i32
    scf.for %scan3A_8 = %scan3A_3 to %scan3A_5 step %scan3A_6  : i32 {
      %mul3A_9 = arith.constant 128 : i32
      %mul3A_10 = arith.muli %scan3A_8, %mul3A_9 : i32
      %add3A_11 = arith.addi %mul3A_2, %mul3A_10 : i32
      "tpu.region"() ({
        %run_scoped3A = tpu.sem_alloc : memref<!tpu.dma_semaphore, #tpu.memory_space<semaphore_mem>>
        %dma_start3A_16 = tpu.memref_slice %arg3[%add3A_11] : memref<65536xi32, #tpu.memory_space<hbm>> -> memref<128xi32, #tpu.memory_space<hbm>>
        %dma_start3A_17 = tpu.memref_slice %arg3[%add3A_11] : memref<65536xi32, #tpu.memory_space<hbm>> -> memref<128xi32, #tpu.memory_space<hbm>>
        tpu.enqueue_dma source(%dma_start3A_17 : memref<128xi32, #tpu.memory_space<hbm>>) target(%arg5 : memref<128xi32, #tpu.memory_space<vmem>>) target_semaphore(%run_scoped3A : memref<!tpu.dma_semaphore, #tpu.memory_space<semaphore_mem>>)
        %dma_wait3A_18 = tpu.memref_slice %arg3[%add3A_11] : memref<65536xi32, #tpu.memory_space<hbm>> -> memref<128xi32, #tpu.memory_space<hbm>>
        %dma_wait3A_19 = tpu.memref_slice %arg3[%add3A_11] : memref<65536xi32, #tpu.memory_space<hbm>> -> memref<128xi32, #tpu.memory_space<hbm>>
        tpu.wait_dma2 semaphore(%run_scoped3A : memref<!tpu.dma_semaphore, #tpu.memory_space<semaphore_mem>>) src(%dma_wait3A_19 : memref<128xi32, #tpu.memory_space<hbm>>) dst(%arg5 : memref<128xi32, #tpu.memory_space<vmem>>)
        tpu.yield
      }) : () -> ()
      %dma_start3A = arith.constant 0 : i32
      %dma_start3A_12 = arith.constant 0 : i32
      %dma_start3A_13 = tpu.memref_slice %arg2[%dma_start3A, %dma_start3A_12] : memref<100352x256xf32, #tpu.memory_space<hbm>> -> memref<100352x256xf32, #tpu.memory_space<hbm>>
      tpu.enqueue_indirect_dma source(%dma_start3A_13 : memref<100352x256xf32, #tpu.memory_space<hbm>>) target(%arg6 : memref<128x256xf32, #tpu.memory_space<vmem>>) offsets(%arg5 : memref<128xi32, #tpu.memory_space<vmem>>) semaphore(%arg7 : memref<!tpu.dma_semaphore, #tpu.memory_space<semaphore_mem>>)
      %dma_wait3A = arith.constant 0 : i32
      %dma_wait3A_14 = arith.constant 0 : i32
      %dma_wait3A_15 = tpu.memref_slice %arg2[%dma_wait3A, %dma_wait3A_14] : memref<100352x256xf32, #tpu.memory_space<hbm>> -> memref<100352x256xf32, #tpu.memory_space<hbm>>
      tpu.wait_indirect_dma semaphore(%arg7 : memref<!tpu.dma_semaphore, #tpu.memory_space<semaphore_mem>>) src(%dma_wait3A_15 : memref<100352x256xf32, #tpu.memory_space<hbm>>) dst(%arg6 : memref<128x256xf32, #tpu.memory_space<vmem>>)
      "tpu.region"() ({
        %run_scoped3A = tpu.sem_alloc : memref<!tpu.dma_semaphore, #tpu.memory_space<semaphore_mem>>
        %dma_start3A_16 = arith.constant 0 : i32
        %dma_start3A_17 = tpu.memref_slice %arg4[%add3A_11, %dma_start3A_16] : memref<65536x256xf32, #tpu.memory_space<hbm>> -> memref<128x256xf32, #tpu.memory_space<hbm>>
        %dma_start3A_18 = arith.constant 0 : i32
        %dma_start3A_19 = tpu.memref_slice %arg4[%add3A_11, %dma_start3A_18] : memref<65536x256xf32, #tpu.memory_space<hbm>> -> memref<128x256xf32, #tpu.memory_space<hbm>>
        tpu.enqueue_dma source(%arg6 : memref<128x256xf32, #tpu.memory_space<vmem>>) target(%dma_start3A_19 : memref<128x256xf32, #tpu.memory_space<hbm>>) target_semaphore(%run_scoped3A : memref<!tpu.dma_semaphore, #tpu.memory_space<semaphore_mem>>)
        %dma_wait3A_20 = arith.constant 0 : i32
        %dma_wait3A_21 = tpu.memref_slice %arg4[%add3A_11, %dma_wait3A_20] : memref<65536x256xf32, #tpu.memory_space<hbm>> -> memref<128x256xf32, #tpu.memory_space<hbm>>
        %dma_wait3A_22 = arith.constant 0 : i32
        %dma_wait3A_23 = tpu.memref_slice %arg4[%add3A_11, %dma_wait3A_22] : memref<65536x256xf32, #tpu.memory_space<hbm>> -> memref<128x256xf32, #tpu.memory_space<hbm>>
        tpu.wait_dma2 semaphore(%run_scoped3A : memref<!tpu.dma_semaphore, #tpu.memory_space<semaphore_mem>>) src(%arg6 : memref<128x256xf32, #tpu.memory_space<vmem>>) dst(%dma_wait3A_23 : memref<128x256xf32, #tpu.memory_space<hbm>>)
        tpu.yield
      }) : () -> ()
    }
    %scan3A_7 = arith.constant 16 : i32
    return
  }
}

module attributes {stable_mosaic.version = 14 : i64} {
  func.func @_score_kernel(%arg0: i32, %arg1: i32, %arg2: memref<256x256xf32, #tpu.memory_space<vmem>>, %arg3: memref<6272x256xf32, #tpu.memory_space<vmem>>, %arg4: memref<256x6272xf32, #tpu.memory_space<vmem>>, %arg5: memref<256x128xf32, #tpu.memory_space<vmem>>) attributes {dimension_semantics = [#tpu.dimension_semantics<parallel>, #tpu.dimension_semantics<parallel>], iteration_bounds = array<i64: 4, 16>, scalar_prefetch = 0 : i64, scratch_operands = 0 : i64, tpu.core_type = #tpu.core_type<tc>, window_params = [{transform_indices = @transform_0, window_bounds = array<i64: 256, 256>}, {transform_indices = @transform_1, window_bounds = array<i64: 6272, 256>}, {transform_indices = @transform_2, window_bounds = array<i64: 256, 6272>}, {transform_indices = @transform_3, window_bounds = array<i64: 256, 128>}]} {
    %get3A = arith.constant 0 : index
    %get3A_0 = arith.constant 0 : index
    %get3A_1 = vector.load %arg2[%get3A, %get3A_0] : memref<256x256xf32, #tpu.memory_space<vmem>>, vector<256x256xf32>
    %get3A_2 = arith.constant 0 : index
    %get3A_3 = arith.constant 0 : index
    %get3A_4 = vector.load %arg3[%get3A_2, %get3A_3] : memref<6272x256xf32, #tpu.memory_space<vmem>>, vector<6272x256xf32>
    %dot_general3A = arith.constant dense<0.000000e+00> : vector<256x6272xf32>
    %dot_general3A_5 = tpu.matmul %get3A_1, %get3A_4, %dot_general3A {dimension_numbers = #tpu.dot_dimension_numbers<[1], [1], [0], [0], [0, 0, 1, 0], [], []>, transpose_lhs_hint = false} : vector<256x256xf32>, vector<6272x256xf32>, vector<256x6272xf32> -> vector<256x6272xf32>
    %mul3A = arith.constant 6272 : i32
    %mul3A_6 = arith.muli %arg1, %mul3A : i32
    %iota3A = tpu.iota {dimensions = array<i32: 1>} : vector<256x6272xi32>
    %add3A = vector.broadcast %mul3A_6 : i32 to vector<256x6272xi32>
    %add3A_7 = arith.addi %add3A, %iota3A : vector<256x6272xi32>
    %lt3A = arith.constant 100000 : i32
    %lt3A_8 = vector.broadcast %lt3A : i32 to vector<256x6272xi32>
    %lt3A_9 = arith.cmpi slt, %add3A_7, %lt3A_8 : vector<256x6272xi32>
    %jit3A = arith.constant 0xFF800000 : f32
    %broadcast_in_dim3A = vector.broadcast %jit3A : f32 to vector<256x6272xf32>
    %select_n3A = arith.select %lt3A_9, %dot_general3A_5, %broadcast_in_dim3A : vector<256x6272xi1>, vector<256x6272xf32>
    %swap3A = arith.constant 0 : index
    %swap3A_10 = arith.constant 0 : index
    %swap3A_11 = vector.load %arg4[%swap3A, %swap3A_10] : memref<256x6272xf32, #tpu.memory_space<vmem>>, vector<256x6272xf32>
    tpu.vector_store %arg4[%swap3A, %swap3A_10], %select_n3A {strides = array<i32>} : memref<256x6272xf32, #tpu.memory_space<vmem>>, vector<256x6272xf32>,
    %reshape3A = vector.shape_cast %select_n3A : vector<256x6272xf32> to vector<256x49x128xf32>
    %reduce_max3A = arith.constant dense<0xFF800000> : vector<256x49xf32>
    %reduce_max3A_12 = vector.multi_reduction <maximumf>, %reshape3A, %reduce_max3A [2] : vector<256x49x128xf32> to vector<256x49xf32>
    %broadcast_in_dim3A_13 = arith.constant 0xFF800000 : f32
    %broadcast_in_dim3A_14 = vector.broadcast %broadcast_in_dim3A_13 : f32 to vector<256x79xf32>
    %concatenate3A = tpu.concatenate %reduce_max3A_12, %broadcast_in_dim3A_14 in 1 : vector<256x49xf32>, vector<256x79xf32> -> vector<256x128xf32>
    %swap3A_15 = arith.constant 0 : index
    %swap3A_16 = arith.constant 0 : index
    %swap3A_17 = vector.load %arg5[%swap3A_15, %swap3A_16] : memref<256x128xf32, #tpu.memory_space<vmem>>, vector<256x128xf32>
    tpu.vector_store %arg5[%swap3A_15, %swap3A_16], %concatenate3A {strides = array<i32>} : memref<256x128xf32, #tpu.memory_space<vmem>>, vector<256x128xf32>,
    return
  }
  func.func @transform_0(%arg0: i32, %arg1: i32) -> (i32, i32) {
    %c0_i32 = arith.constant 0 : i32
    %c0_i32_0 = arith.constant 0 : i32
    return %arg0, %c0_i32 : i32, i32
  }
  func.func @transform_1(%arg0: i32, %arg1: i32) -> (i32, i32) {
    %c0_i32 = arith.constant 0 : i32
    %c0_i32_0 = arith.constant 0 : i32
    return %arg1, %c0_i32 : i32, i32
  }
  func.func @transform_2(%arg0: i32, %arg1: i32) -> (i32, i32) {
    %c0_i32 = arith.constant 0 : i32
    return %arg0, %arg1 : i32, i32
  }
  func.func @transform_3(%arg0: i32, %arg1: i32) -> (i32, i32) {
    %c0_i32 = arith.constant 0 : i32
    return %arg0, %arg1 : i32, i32
  }
}

module attributes {stable_mosaic.version = 14 : i64} {
  func.func @_topk_chunk_kernel(%arg0: i32, %arg1: memref<512x896xf32, #tpu.memory_space<vmem>>, %arg2: memref<512x64xi32, #tpu.memory_space<vmem>>) attributes {dimension_semantics = [#tpu.dimension_semantics<parallel>], iteration_bounds = array<i64: 2>, scalar_prefetch = 0 : i64, scratch_operands = 0 : i64, tpu.core_type = #tpu.core_type<tc>, window_params = [{transform_indices = @transform_0, window_bounds = array<i64: 512, 896>}, {transform_indices = @transform_1, window_bounds = array<i64: 512, 64>}]} {
    %get3A = arith.constant 0 : index
    %get3A_0 = arith.constant 0 : index
    %get3A_1 = vector.load %arg1[%get3A, %get3A_0] : memref<512x896xf32, #tpu.memory_space<vmem>>, vector<512x896xf32>
    %iota3A = tpu.iota {dimensions = array<i32: 1>} : vector<512x896xi32>
    %iota3A_2 = tpu.iota {dimensions = array<i32: 1>} : vector<512x64xi32>
    %broadcast_in_dim3A = arith.constant 0 : i32
    %broadcast_in_dim3A_3 = vector.broadcast %broadcast_in_dim3A : i32 to vector<512x64xi32>
    %scan3A = arith.constant 0 : i32
    %scan3A_4 = arith.constant 64 : i32
    %scan3A_5 = arith.addi %scan3A, %scan3A_4 : i32
    %scan3A_6 = arith.constant 1 : i32
    %scan3A_7:2 = scf.for %scan3A_11 = %scan3A to %scan3A_5 step %scan3A_6 iter_args(%scan3A_12 = %get3A_1, %scan3A_13 = %broadcast_in_dim3A_3) -> (vector<512x896xf32>, vector<512x64xi32>)  : i32 {
      %reduce_max3A = arith.constant dense<0xFF800000> : vector<512xf32>
      %reduce_max3A_14 = vector.multi_reduction <maximumf>, %scan3A_12, %reduce_max3A [1] : vector<512x896xf32> to vector<512xf32>
      %broadcast_in_dim3A_15 = vector.shape_cast %reduce_max3A_14 : vector<512xf32> to vector<512x1xf32>
      %eq3A = vector.broadcast %broadcast_in_dim3A_15 : vector<512x1xf32> to vector<512x896xf32>
      %eq3A_16 = arith.cmpf oeq, %scan3A_12, %eq3A : vector<512x896xf32>
      %jit3A = arith.constant 2147483647 : i32
      %broadcast_in_dim3A_17 = vector.broadcast %jit3A : i32 to vector<512x896xi32>
      %select_n3A = arith.select %eq3A_16, %iota3A, %broadcast_in_dim3A_17 : vector<512x896xi1>, vector<512x896xi32>
      %reduce_min3A = arith.constant dense<2147483647> : vector<512xi32>
      %reduce_min3A_18 = vector.multi_reduction <minsi>, %select_n3A, %reduce_min3A [1] : vector<512x896xi32> to vector<512xi32>
      %broadcast_in_dim3A_19 = vector.shape_cast %reduce_min3A_18 : vector<512xi32> to vector<512x1xi32>
      %eq3A_20 = vector.broadcast %scan3A_11 : i32 to vector<512x64xi32>
      %eq3A_21 = arith.cmpi eq, %iota3A_2, %eq3A_20 : vector<512x64xi32>
      %broadcast_in_dim3A_22 = vector.shape_cast %broadcast_in_dim3A_19 : vector<512x1xi32> to vector<512x1xi32>
      %broadcast_in_dim3A_23 = vector.broadcast %broadcast_in_dim3A_22 : vector<512x1xi32> to vector<512x64xi32>
      %select_n3A_24 = arith.select %eq3A_21, %broadcast_in_dim3A_23, %scan3A_13 : vector<512x64xi1>, vector<512x64xi32>
      %eq3A_25 = vector.broadcast %broadcast_in_dim3A_19 : vector<512x1xi32> to vector<512x896xi32>
      %eq3A_26 = arith.cmpi eq, %iota3A, %eq3A_25 : vector<512x896xi32>
      %jit3A_27 = arith.constant 0xFF800000 : f32
      %broadcast_in_dim3A_28 = vector.broadcast %jit3A_27 : f32 to vector<512x896xf32>
      %select_n3A_29 = arith.select %eq3A_26, %broadcast_in_dim3A_28, %scan3A_12 : vector<512x896xi1>, vector<512x896xf32>
      scf.yield %select_n3A_29, %select_n3A_24 : vector<512x896xf32>, vector<512x64xi32>
    }
    %scan3A_8 = arith.constant 64 : i32
    %swap3A = arith.constant 0 : index
    %swap3A_9 = arith.constant 0 : index
    %swap3A_10 = vector.load %arg2[%swap3A, %swap3A_9] : memref<512x64xi32, #tpu.memory_space<vmem>>, vector<512x64xi32>
    tpu.vector_store %arg2[%swap3A, %swap3A_9], %scan3A_7#1 {strides = array<i32>} : memref<512x64xi32, #tpu.memory_space<vmem>>, vector<512x64xi32>,
    return
  }
  func.func @transform_0(%arg0: i32) -> (i32, i32) {
    %c0_i32 = arith.constant 0 : i32
    %c0_i32_0 = arith.constant 0 : i32
    return %arg0, %c0_i32 : i32, i32
  }
  func.func @transform_1(%arg0: i32) -> (i32, i32) {
    %c0_i32 = arith.constant 0 : i32
    %c0_i32_0 = arith.constant 0 : i32
    return %arg0, %c0_i32 : i32, i32
  }
}

module attributes {stable_mosaic.version = 14 : i64} {
  func.func @_topk_cand_kernel(%arg0: i32, %arg1: memref<128x64x128xf32, #tpu.memory_space<vmem>>, %arg2: memref<128x64xi32, #tpu.memory_space<vmem>>, %arg3: memref<128x64xi32, #tpu.memory_space<vmem>>) attributes {dimension_semantics = [#tpu.dimension_semantics<parallel>], iteration_bounds = array<i64: 8>, scalar_prefetch = 0 : i64, scratch_operands = 0 : i64, tpu.core_type = #tpu.core_type<tc>, window_params = [{transform_indices = @transform_0, window_bounds = array<i64: 128, 64, 128>}, {transform_indices = @transform_1, window_bounds = array<i64: 128, 64>}, {transform_indices = @transform_2, window_bounds = array<i64: 128, 64>}]} {
    %get3A = arith.constant 0 : index
    %get3A_0 = arith.constant 0 : index
    %get3A_1 = arith.constant 0 : index
    %get3A_2 = vector.load %arg1[%get3A, %get3A_0, %get3A_1] : memref<128x64x128xf32, #tpu.memory_space<vmem>>, vector<128x64x128xf32>
    %get3A_3 = arith.constant 0 : index
    %get3A_4 = arith.constant 0 : index
    %get3A_5 = vector.load %arg2[%get3A_3, %get3A_4] : memref<128x64xi32, #tpu.memory_space<vmem>>, vector<128x64xi32>
    %iota3A = tpu.iota {dimensions = array<i32: 2>} : vector<128x64x128xi32>
    %broadcast_in_dim3A = vector.shape_cast %get3A_5 : vector<128x64xi32> to vector<128x64x1xi32>
    %mul3A = arith.constant 128 : i32
    %mul3A_6 = vector.broadcast %mul3A : i32 to vector<128x64x1xi32>
    %mul3A_7 = arith.muli %broadcast_in_dim3A, %mul3A_6 : vector<128x64x1xi32>
    %add3A = vector.broadcast %mul3A_7 : vector<128x64x1xi32> to vector<128x64x128xi32>
    %add3A_8 = arith.addi %add3A, %iota3A : vector<128x64x128xi32>
    %iota3A_9 = tpu.iota {dimensions = array<i32: 1>} : vector<128x64xi32>
    %broadcast_in_dim3A_10 = arith.constant 0 : i32
    %broadcast_in_dim3A_11 = vector.broadcast %broadcast_in_dim3A_10 : i32 to vector<128x64xi32>
    %scan3A = arith.constant 0 : i32
    %scan3A_12 = arith.constant 64 : i32
    %scan3A_13 = arith.addi %scan3A, %scan3A_12 : i32
    %scan3A_14 = arith.constant 1 : i32
    %scan3A_15:2 = scf.for %scan3A_19 = %scan3A to %scan3A_13 step %scan3A_14 iter_args(%scan3A_20 = %get3A_2, %scan3A_21 = %broadcast_in_dim3A_11) -> (vector<128x64x128xf32>, vector<128x64xi32>)  : i32 {
      %reduce_max3A = arith.constant dense<0xFF800000> : vector<128xf32>
      %reduce_max3A_22 = vector.multi_reduction <maximumf>, %scan3A_20, %reduce_max3A [1, 2] : vector<128x64x128xf32> to vector<128xf32>
      %broadcast_in_dim3A_23 = vector.shape_cast %reduce_max3A_22 : vector<128xf32> to vector<128x1x1xf32>
      %eq3A = vector.broadcast %broadcast_in_dim3A_23 : vector<128x1x1xf32> to vector<128x64x128xf32>
      %eq3A_24 = arith.cmpf oeq, %scan3A_20, %eq3A : vector<128x64x128xf32>
      %jit3A = arith.constant 2147483647 : i32
      %broadcast_in_dim3A_25 = vector.broadcast %jit3A : i32 to vector<128x64x128xi32>
      %select_n3A = arith.select %eq3A_24, %add3A_8, %broadcast_in_dim3A_25 : vector<128x64x128xi1>, vector<128x64x128xi32>
      %reduce_min3A = arith.constant dense<2147483647> : vector<128xi32>
      %reduce_min3A_26 = vector.multi_reduction <minsi>, %select_n3A, %reduce_min3A [1, 2] : vector<128x64x128xi32> to vector<128xi32>
      %broadcast_in_dim3A_27 = vector.shape_cast %reduce_min3A_26 : vector<128xi32> to vector<128x1x1xi32>
      %eq3A_28 = vector.broadcast %scan3A_19 : i32 to vector<128x64xi32>
      %eq3A_29 = arith.cmpi eq, %iota3A_9, %eq3A_28 : vector<128x64xi32>
      %squeeze3A = vector.shape_cast %broadcast_in_dim3A_27 : vector<128x1x1xi32> to vector<128x1xi32>
      %broadcast_in_dim3A_30 = vector.shape_cast %squeeze3A : vector<128x1xi32> to vector<128x1xi32>
      %broadcast_in_dim3A_31 = vector.broadcast %broadcast_in_dim3A_30 : vector<128x1xi32> to vector<128x64xi32>
      %select_n3A_32 = arith.select %eq3A_29, %broadcast_in_dim3A_31, %scan3A_21 : vector<128x64xi1>, vector<128x64xi32>
      %eq3A_33 = vector.broadcast %broadcast_in_dim3A_27 : vector<128x1x1xi32> to vector<128x64x128xi32>
      %eq3A_34 = arith.cmpi eq, %add3A_8, %eq3A_33 : vector<128x64x128xi32>
      %jit3A_35 = arith.constant 0xFF800000 : f32
      %broadcast_in_dim3A_36 = vector.broadcast %jit3A_35 : f32 to vector<128x64x128xf32>
      %select_n3A_37 = arith.select %eq3A_34, %broadcast_in_dim3A_36, %scan3A_20 : vector<128x64x128xi1>, vector<128x64x128xf32>
      scf.yield %select_n3A_37, %select_n3A_32 : vector<128x64x128xf32>, vector<128x64xi32>
    }
    %scan3A_16 = arith.constant 64 : i32
    %swap3A = arith.constant 0 : index
    %swap3A_17 = arith.constant 0 : index
    %swap3A_18 = vector.load %arg3[%swap3A, %swap3A_17] : memref<128x64xi32, #tpu.memory_space<vmem>>, vector<128x64xi32>
    tpu.vector_store %arg3[%swap3A, %swap3A_17], %scan3A_15#1 {strides = array<i32>} : memref<128x64xi32, #tpu.memory_space<vmem>>, vector<128x64xi32>,
    return
  }
  func.func @transform_0(%arg0: i32) -> (i32, i32, i32) {
    %c0_i32 = arith.constant 0 : i32
    %c0_i32_0 = arith.constant 0 : i32
    %c0_i32_1 = arith.constant 0 : i32
    return %arg0, %c0_i32, %c0_i32_0 : i32, i32, i32
  }
  func.func @transform_1(%arg0: i32) -> (i32, i32) {
    %c0_i32 = arith.constant 0 : i32
    %c0_i32_0 = arith.constant 0 : i32
    return %arg0, %c0_i32 : i32, i32
  }
  func.func @transform_2(%arg0: i32) -> (i32, i32) {
    %c0_i32 = arith.constant 0 : i32
    %c0_i32_0 = arith.constant 0 : i32
    return %arg0, %c0_i32 : i32, i32
  }
}

</mosaic_0001>

<sc_bundles>
// kernel: kernel.10.cloned.1.call-start
scs
__scs_entry_jumppad:
0x0: {  	(pc) =	sbr.rel $0x88, $3  }
0x1: {  	(tag) =	ssettag $0x0;
	lr =	simm.s32 $0x1  }
0x2: {  	[smem:$0x3F9E] =	sst lr;
	_ =	strace $0xD0000000  }
0x3: {  	_ = 	snop  }
0x4: {  	_ = 	snop  }
0x5: {  	_ = 	snop  }
0x6: {  	_ = 	snop  }
0x7: {  	_ = 	snop  }
__scs_overlays_trampoline_lowered:
0x8: {  	[smem:$0x3FAD] =	sst s0  }
0x9: {  	[smem:$0x3FAE] =	sst s1  }
0xa: {  	[smem:$0x3FAF] =	sst s2  }
0xb: {  	[smem:$0x3FB0] =	sst s3  }
0xc: {  	[smem:$0x3FB1] =	sst s4  }
0xd: {  	[smem:$0x3FB2] =	sst s5  }
0xe: {  	[smem:$0x3FB3] =	sst s6  }
0xf: {  	[smem:$0x3FB4] =	sst s7  }
0x10: {  	[smem:$0x3FB5] =	sst s8  }
0x11: {  	[smem:$0x3FB6] =	sst s9;
	s0 =	simm.s32 @!p0 $0x0  }
0x12: {  	s1 =	sld [smem:$0x3F9C];
	s0 =	simm.s32 @p0 $0x1  }
0x13: {  	[smem:$0x3FB7] =	sst s0;
	s0 =	simm.s32 @!p1 $0x0  }
0x14: {  	s2 =	sld [smem:$0x3F9B];
	s0 =	simm.s32 @p1 $0x1  }
0x15: {  	[smem:$0x3FB8] =	sst s0;
	s0 =	simm.s32 @!p2 $0x0  }
0x16: {  	s3 =	sld [smem:$0x3FDB];
	s0 =	simm.s32 @p2 $0x1  }
0x17: {  	s4 =	simm.s32 $0x1BF5;
	[smem:$0x3FBA] =	sst s0  }
0x18: {  	s0 =	sld [smem:$0x3F9D];
	_ =	swait.ge [sflag:s4], $0x0  }
0x19: {  	s7 =	sld [smem:$0x3F9E]  }
0x1a: {  	s8 =	sadd.s32 $0xFFFFE003, lr  }
0x1b: {  	s9 =	sadd.s32 $0xFFFFFEF7, lr;
	s5 =	simm.s32 $0xFFFFFFFF;
	p2 =	slt.u32 s8, $0xFFFFF086  }
0x1c: {  	p1 =	slt.u32 s9, $0xF7A;
	s5 =	simm.s32 @!p2 $0x0  }
0x1d: {  	s5 =	simm.s32 @p1 $0x1;
	p0 =	seq.s32 s7, s2  }
0x1e: {  	s7 =	smul.u32 @!p0 $0xF7A, s2;
	p2 =	seq.s32 @!p0 s5, $0x0  }
0x1f: {  	s9 =	smul.u32 $0xF7A, s1;
	s8 =	simm.s32 @!p0 $0x1BF5;
	p2 =	por !p2, p0  }
0x20: {  	[sflag:s8] =	ssyncset.s32 @!p0 $0xFFFFF086;
	s6 =	sadd.s32 @!p0 s3, s7;
	s7 =	simm.s32 @!p0 $0x108  }
0x21: {  	s3 =	sadd.s32 s3, s9;
	s6 =	sadd.s32 @!p0 $0x88, s6;
	s7 =	simm.s32 @p2 $0x1082  }
0x22: {  	[simem:s7], [sflag:s8] =	dma.local @!p0 [hbm:s6], $0xF7A  }
0x23: {  	s9 =	sor.u32 $0xD0000000, s2;
	s6 =	simm.s32 $0x108;
	_ =	swait.ge @!p0 [sflag:s8], $0x0  }
0x24: {  	s3 =	sadd.s32 $0x88, s3;
	s6 =	simm.s32 @!p1 $0x1082;
	[sflag:s4] =	ssyncset.s32 $0xFFFFF086  }
0x25: {  	[simem:s6], [sflag:s4] =	dma.local [hbm:s3], $0xF7A  }
0x26: {  	[smem:$0x3F9E] =	sst s1;
	(tag) =	ssettag s2;
	_ =	strace s9  }
0x27: {  	s1 =	sld [smem:$0x3FAE]  }
0x28: {  	s2 =	sld [smem:$0x3FAF]  }
0x29: {  	s4 =	sld [smem:$0x3FB1]  }
0x2a: {  	p0 =	seq.s32 s5, $0x0;
	s5 =	sld [smem:$0x3FB2]  }
0x2b: {  	s6 =	sld [smem:$0x3FB3]  }
0x2c: {  	s7 =	sld [smem:$0x3FB4]  }
0x2d: {  	s3 =	simm.s32 $0x108;
	s8 =	sld [smem:$0x3FB5]  }
0x2e: {  	s3 =	simm.s32 @!p0 $0x1082;
	s9 =	sld [smem:$0x3FB6]  }
0x2f: {  	lr =	sadd.s32 s0, s3;
	s0 =	sld [smem:$0x3FAD]  }
0x30: {  	s3 =	sld [smem:$0x3FB0]  }
0x31: {  	[smem:$0x3FB9] =	sst s10  }
0x32: {  	s10 =	sld [smem:$0x3FB7];
	_ =	sdelay $0x3  }
0x33: {  	p0 =	seq.s32 s10, $0x1;
	s10 =	sld [smem:$0x3FB9];
	_ =	sdelay $0x3  }
0x34: {  	[smem:$0x3FB9] =	sst s10  }
0x35: {  	s10 =	sld [smem:$0x3FB8];
	_ =	sdelay $0x3  }
0x36: {  	p1 =	seq.s32 s10, $0x1;
	s10 =	sld [smem:$0x3FB9];
	_ =	sdelay $0x3  }
0x37: {  	[smem:$0x3FB9] =	sst s10  }
0x38: {  	s10 =	sld [smem:$0x3FBA]  }
0x39: {  	_ = 	snop;
	(pc) =	sbr.ind lr, $3  }
0x3a: {  	_ = 	snop  }
0x3b: {  	_ = 	snop  }
0x3c: {  	p2 =	seq.s32 s10, $0x1;
	s10 =	sld [smem:$0x3FB9]  }
0x3d: {  	_ =	shalt  }
0x3e: {  	_ =	shalt  }
0x3f: {  	_ =	shalt  }
0x40: {  	_ =	shalt  }
0x41: {  	_ =	shalt  }
0x42: {  	_ =	shalt  }
0x43: {  	_ =	shalt  }
0x44: {  	_ =	shalt  }
0x45: {  	_ =	shalt  }
0x46: {  	_ =	shalt  }
0x47: {  	_ =	shalt  }
0x48: {  	_ =	shalt  }
0x49: {  	_ =	shalt  }
0x4a: {  	_ =	shalt  }
0x4b: {  	_ =	shalt  }
0x4c: {  	_ =	shalt  }
0x4d: {  	_ =	shalt  }
0x4e: {  	_ =	shalt  }
0x4f: {  	_ =	shalt  }
0x50: {  	_ =	shalt  }
0x51: {  	_ =	shalt  }
0x52: {  	_ =	shalt  }
0x53: {  	_ =	shalt  }
0x54: {  	_ =	shalt  }
0x55: {  	_ =	shalt  }
0x56: {  	_ =	shalt  }
0x57: {  	_ =	shalt  }
0x58: {  	_ =	shalt  }
0x59: {  	_ =	shalt  }
0x5a: {  	_ =	shalt  }
0x5b: {  	_ =	shalt  }
0x5c: {  	_ =	shalt  }
0x5d: {  	_ =	shalt  }
0x5e: {  	_ =	shalt  }
0x5f: {  	_ =	shalt  }
0x60: {  	_ =	shalt  }
0x61: {  	_ =	shalt  }
0x62: {  	_ =	shalt  }
0x63: {  	_ =	shalt  }
0x64: {  	_ =	shalt  }
0x65: {  	_ =	shalt  }
0x66: {  	_ =	shalt  }
0x67: {  	_ =	shalt  }
0x68: {  	_ =	shalt  }
0x69: {  	_ =	shalt  }
0x6a: {  	_ =	shalt  }
0x6b: {  	_ =	shalt  }
0x6c: {  	_ =	shalt  }
0x6d: {  	_ =	shalt  }
0x6e: {  	_ =	shalt  }
0x6f: {  	_ =	shalt  }
0x70: {  	_ =	shalt  }
0x71: {  	_ =	shalt  }
0x72: {  	_ =	shalt  }
0x73: {  	_ =	shalt  }
0x74: {  	_ =	shalt  }
0x75: {  	_ =	shalt  }
0x76: {  	_ =	shalt  }
0x77: {  	_ =	shalt  }
0x78: {  	_ =	shalt  }
0x79: {  	_ =	shalt  }
0x7a: {  	_ =	shalt  }
0x7b: {  	_ =	shalt  }
0x7c: {  	_ =	shalt  }
0x7d: {  	_ =	shalt  }
0x7e: {  	_ =	shalt  }
0x7f: {  	_ =	shalt  }
0x80: {  	_ =	shalt  }
0x81: {  	_ =	shalt  }
0x82: {  	_ =	shalt  }
0x83: {  	_ =	shalt  }
0x84: {  	_ =	shalt  }
0x85: {  	_ =	shalt  }
0x86: {  	_ =	shalt  }
0x87: {  	_ =	shalt  }
.Lfunc_end0:
.L_simem_size_0:
called_computation.1_lowered:
.L_overlay_start_0:
0x88: {  	s2 =	sld [smem:$0x3FD9]  }
0x89: {  	s3 =	sld [smem:$0x3FFE];
	_ =	sdelay $0x1  }
0x8a: {  	s1 =	srdreg.scid  }
0x8b: {  	s0 =	sand.u32 $0x1, s1  }
0x8c: {  	s17 =	sshll.u32 s0, $0xA;
	s2 =	sadd.s32 s3, s2  }
0x8d: {  	s2 =	sadd.s32 s2, s17  }
0x8e: {  	[smem:$0x3FC5] =	sst s2  }
0x8f: {  	_ = 	snop  }
0x90: {  	s2 =	sld [smem:$0x3FD0];
	(tm) =	ssettm $0x1  }
0x91: {  	s18 =	sld [smem:$0x3FFB];
	_ =	sdelay $0x3  }
0x92: {  	_ =	strace s18  }
0x93: {  	s3 =	sld [smem:$0x3FFC];
	_ =	sdelay $0x3  }
0x94: {  	_ =	strace s3  }
0x95: {  	s3 =	sld [smem:$0x3FFD];
	_ =	sdelay $0x3  }
0x96: {  	_ =	strace s3  }
0x97: {  	_ =	strace $0x8FFFFFFF  }
0x98: {  	s19 =	sld [smem:$0x3FDB];
	_ =	sdelay $0x1  }
0x99: {  	s4 =	simm.s32 $_scs_section_size  }
0x9a: {  	s5 =	simm.s32 $_size__tile_overlayer_lowered;
	s6 =	simm.s32 $_tile_overlayer_lowered  }
0x9b: {  	s22 =	simm.s32 $0x1BFF;
	s21 =	sshll.u32 s6, $0x1;
	s3 =	sadd.s32 s4, s19  }
0x9c: {  	s7 =	simm.s32 $0x0;
	s20 =	sshll.u32 s5, $0x1;
	s5 =	sadd.s32 s21, s3  }
0x9d: {  	[timem:s7], [sflag:s22] =	dma.local [hbm:s5], s20  }
0x9e: {  	_ =	swait.ge [sflag:s22], s20  }
0x9f: {  	s4 =	ssub.s32 $0x0, s20;
	[sflag:s22] =	ssyncset.done $0x0  }
0xa0: {  	[sflag:s22] =	ssyncadd.s32 s4;
	_ =	sdelay $0x1  }
0xa1: {  	s23 =	simm.s32 $0x1B8B  }
0xa2: {  	_ =	swait.ge [sflag:s23], $0x1  }
0xa3: {  	[sflag:s23] =	ssyncset.done $0x0  }
0xa4: {  	s25 =	simm.s32 $0x1B8E;
	s24 =	sld [smem:$0x3FFE];
	[sflag:s23] =	ssyncadd.s32 $0xFFFFFFFF  }
0xa5: {  	s26 =	simm.s32 $execute0_lowered;
	[smem:$0x3FD2] =	sst s25  }
0xa6: {  	s5 =	sshll.u32 s26, $0x1;
	_ =	strace $0x80000049;
	[dreg:$0x1] =	wrdreg $0xFFFFFFFF  }
0xa7: {  	s28 =	simm.s32 $_size_execute0_lowered;
	s3 =	sadd.s32 s3, s5;
	[dreg:$0x0] =	wrdreg $0x0  }
0xa8: {  	s5 =	sshll.u32 s28, $0x1;
	[dreg:$0x2] =	wrdreg s3  }
0xa9: {  	[dreg:$0x3] =	wrdreg s5  }
0xaa: {  	[dreg:$0x4] =	wrdreg $0xC0  }
0xab: {  	_ =	task [dreg:s7], $0x5FFFF  }
0xac: {  	[dreg:$0x1] =	wrdreg $0xFFFFFFFF  }
0xad: {  	[dreg:$0x0] =	wrdreg $0x60  }
0xae: {  	[dreg:$0x2] =	wrdreg s24  }
0xaf: {  	[dreg:$0x3] =	wrdreg s2  }
0xb0: {  	[dreg:$0x4] =	wrdreg $0x9  }
0xb1: {  	_ =	task.clear_ibuf [dreg:s7], $0x5FFFF;
	_ =	strace $0x90000049  }
0xb2: {  	s29 =	simm.s32 $0x9;
	_ =	strace $0x8000004B  }
0xb3: {  	_ =	swait.ge [sflag:s29], $0x1  }
0xb4: {  	[sflag:s29] =	ssyncadd.s32 $0xFFFFFFFF  }
0xb5: {  	_ =	strace $0x9000004B  }
0xb6: {  	_ =	sfence  }
0xb7: {  	s30 =	sld [smem:$0x0];
	_ =	sdelay $0x2  }
0xb8: {  	s31 =	sshll.u32 s1, $0xD;
	s1 =	sshrl.u32 s1, $0x2  }
0xb9: {  	s3 =	sand.u32 $0x4000, s31;
	s1 =	sadd.s32 s1, s30  }
0xba: {  	s0 =	sor.u32 s3, s0;
	s1 =	sshll.u32 s1, $0x11  }
0xbb: {  	s0 =	sor.u32 s1, s0  }
0xbc: {  	s0 =	sadd.s32 $0x8F2B, s0  }
0xbd: {  	[sflag:s0] =	ssyncadd.remote.s32 $0x1  }
0xbe: {  	_ =	sfence.sel $0xFFFF  }
0xbf: {  	[dreg:$0x0] =	wrdreg $0xFFFFFFFF;
	(pc) =	sbr.abs _section_cstart, $3  }
0xc0: {  	[dreg:$0x1] =	wrdreg $0xFFFFFFFF  }
0xc1: {  	_ =	task.clear_ibuf [dreg:s7], $0x2FFFF;
	_ =	strace $0x9FFFFFFF  }
0xc2: {  	(tm) =	ssettm $0x7FFFFFFF  }
0xc3: {  	_ =	shalt  }
tec
execute0_lowered:
.L_overlay_start_1:
0x0: {  	(tag) =	ssettag $0x1  }
0x1: {  	s4 =	rddreg [dreg:$0x0]  }
0x2: {  	s5 =	rddreg [dreg:$0x1]  }
0x3: {  	s0 =	rddreg [dreg:$0x2];
	s3 =	srdreg.scid  }
0x4: {  	s2 =	simm.s32 $0x0;
	s1 =	stileid.u32;
	s10 =	simm.s32 $0x1080  }
0x5: {  	s11 =	simm.s32 $0x1880;
	s12 =	simm.s32 $0x2080;
	s13 =	simm.s32 $0x2880  }
0x6: {  	s14 =	simm.s32 $0x3080;
	s15 =	simm.s32 $0x3880;
	s16 =	simm.s32 $0x4080  }
0x7: {  	s17 =	simm.s32 $0x4880;
	s18 =	simm.s32 $0x5080;
	s19 =	simm.s32 $0x5880  }
0x8: {  	s20 =	simm.s32 $0x6080;
	s21 =	simm.s32 $0x6880;
	s22 =	simm.s32 $0x7080  }
0x9: {  	s23 =	simm.s32 $0x7880;
	s24 =	simm.s32 $0x1;
	s25 =	simm.s32 $0x0  }
0xa: {  	s6 =	sand.u32 $0x1, s3;
	[smem:$0x7FF] =	sst s2;
	s29 =	sshll.u32 s1, $0xC  }
0xb: {  	s3 =	sadd.s32 $0x1200, s4;
	s31 =	sshll.u32 s1, $0x11;
	s7 =	sshll.u32 s6, $0xB  }
0xc: {  	_ =	strace $0x8000004A;
	s8 =	ssub.s32 $0x2, s6;
	s5 =	sadd.s32 s31, s5  }
0xd: {  	s6 =	sshll.u32 s6, $0x10;
	s7 =	sor.u32 s7, s29;
	s9 =	sshrl.u32 s8, $0x1  }
0xe: {  	v2 =	vlaneseq.u32;
	s5 =	sadd.s32 s6, s5;
	s7 =	sshrl.u32 s7, $0x3;
	s30 =	ssub.s32 s8, s9  }
0xf: {  	vm0 =	vmmov $0xffff;
	v1 =	vshrl.u32 v2, $0x3;
	s8 =	simm.s32 $0x80;
	s9 =	simm.s32 $0x880;
	s7 =	sadd.s32 s7, s4  }
0x10: {  	v0 =	vand.u32 $0x7, v2;
	v2 =	vor.u32 $0x8, v2;
	v1 =	vmul.u32 $0x8, v1;
	s4 =	smax.u32 s30, $0x1;
	s6 =	sadd.s32 $0x311200, s7;
	s7 =	simm.s32 $0x2  }
.LBB2_1:
0x11: {  	s26 =	smov.u32 s5;
	s28 =	simm.s32 $0x0  }
.LBB2_2:
0x12: {  	s29 =	sadd.s32 s28, s6  }
0x13: {  	[tilespmem:s2], [sflag:$0x2] =	stream.linear.gather [hbm4b:s29+s2], $0x80, $0x38;
	[tilespmem:$0x8080] =	vst v63  }
0x14: {  	_ =	swait.ge [sflag:s7], $0x80  }
0x15: {  	[sflag:s7] =	ssyncset.done $0x0  }
0x16: {  	[sflag:s7] =	ssyncadd.s32 $0xFFFFFF80  }
0x17: {  	v3 =	vld [tilespmem:$0x0];
	_ =	sdelay $0x4  }
0x18: {  	v4 =	vshll.u32 v3, $0x1  }
0x19: {  	v3 =	vand.u32 $0x7, v3;
	v4 =	vand.u32 $0xFFFFFFF0, v4  }
0x1a: {  	v3 =	vor.u32 v3, v4  }
0x1b: {  	v4 =	vperm.xlane v3, v0;
	_ =	sdelay $0x1  }
0x1c: {  	v3 =	vperm.xlane v3, v2;
	v4 =	vadd.s32 v1, v4;
	_ =	sdelay $0x1  }
0x1d: {  	v3 =	vadd.s32 v1, v3;
	_ =	sdelay $0x2  }
0x1e: {  	[tilespmem:s8], [sflag:$0x1] =	stream.indirect_vreg.gather [hbm4b:s3+s2], $0x80, v4, vm0, $0xb8;
	[tilespmem:$0x8080] =	vst v63  }
0x1f: {  	_ = 	snop  }
0x20: {  	[tilespmem:s9], [sflag:$0x1] =	stream.indirect_vreg.gather [hbm4b:s3+s2], $0x80, v3, vm0, $0xb8;
	[tilespmem:$0x8080] =	vst v63  }
0x21: {  	v3 =	vld [tilespmem:$0x10];
	_ =	sdelay $0x4  }
0x22: {  	v57 =	vshll.u32 v3, $0x1  }
0x23: {  	v3 =	vand.u32 $0x7, v3;
	v4 =	vand.u32 $0xFFFFFFF0, v57  }
0x24: {  	v3 =	vor.u32 v3, v4  }
0x25: {  	v4 =	vperm.xlane v3, v0;
	_ =	sdelay $0x1  }
0x26: {  	v3 =	vperm.xlane v3, v2;
	v4 =	vadd.s32 v1, v4;
	_ =	sdelay $0x1  }
0x27: {  	v3 =	vadd.s32 v1, v3;
	_ =	sdelay $0x2  }
0x28: {  	[tilespmem:s10], [sflag:$0x1] =	stream.indirect_vreg.gather [hbm4b:s3+s2], $0x80, v4, vm0, $0xb8;
	[tilespmem:$0x8080] =	vst v63  }
0x29: {  	_ = 	snop  }
0x2a: {  	[tilespmem:s11], [sflag:$0x1] =	stream.indirect_vreg.gather [hbm4b:s3+s2], $0x80, v3, vm0, $0xb8;
	[tilespmem:$0x8080] =	vst v63  }
0x2b: {  	v3 =	vld [tilespmem:$0x20];
	_ =	sdelay $0x4  }
0x2c: {  	v58 =	vshll.u32 v3, $0x1  }
0x2d: {  	v3 =	vand.u32 $0x7, v3;
	v4 =	vand.u32 $0xFFFFFFF0, v58  }
0x2e: {  	v3 =	vor.u32 v3, v4  }
0x2f: {  	v4 =	vperm.xlane v3, v0;
	_ =	sdelay $0x1  }
0x30: {  	v3 =	vperm.xlane v3, v2;
	v4 =	vadd.s32 v1, v4;
	_ =	sdelay $0x1  }
0x31: {  	v3 =	vadd.s32 v1, v3;
	_ =	sdelay $0x2  }
0x32: {  	[tilespmem:s12], [sflag:$0x1] =	stream.indirect_vreg.gather [hbm4b:s3+s2], $0x80, v4, vm0, $0xb8;
	[tilespmem:$0x8080] =	vst v63  }
0x33: {  	_ = 	snop  }
0x34: {  	[tilespmem:s13], [sflag:$0x1] =	stream.indirect_vreg.gather [hbm4b:s3+s2], $0x80, v3, vm0, $0xb8;
	[tilespmem:$0x8080] =	vst v63  }
0x35: {  	v3 =	vld [tilespmem:$0x30];
	_ =	sdelay $0x4  }
0x36: {  	v59 =	vshll.u32 v3, $0x1  }
0x37: {  	v3 =	vand.u32 $0x7, v3;
	v4 =	vand.u32 $0xFFFFFFF0, v59  }
0x38: {  	v3 =	vor.u32 v3, v4  }
0x39: {  	v4 =	vperm.xlane v3, v0;
	_ =	sdelay $0x1  }
0x3a: {  	v3 =	vperm.xlane v3, v2;
	v4 =	vadd.s32 v1, v4;
	_ =	sdelay $0x1  }
0x3b: {  	v3 =	vadd.s32 v1, v3;
	_ =	sdelay $0x2  }
0x3c: {  	[tilespmem:s14], [sflag:$0x1] =	stream.indirect_vreg.gather [hbm4b:s3+s2], $0x80, v4, vm0, $0xb8;
	[tilespmem:$0x8080] =	vst v63  }
0x3d: {  	_ = 	snop  }
0x3e: {  	[tilespmem:s15], [sflag:$0x1] =	stream.indirect_vreg.gather [hbm4b:s3+s2], $0x80, v3, vm0, $0xb8;
	[tilespmem:$0x8080] =	vst v63  }
0x3f: {  	v3 =	vld [tilespmem:$0x40];
	_ =	sdelay $0x4  }
0x40: {  	v60 =	vshll.u32 v3, $0x1  }
0x41: {  	v3 =	vand.u32 $0x7, v3;
	v4 =	vand.u32 $0xFFFFFFF0, v60  }
0x42: {  	v3 =	vor.u32 v3, v4  }
0x43: {  	v4 =	vperm.xlane v3, v0;
	_ =	sdelay $0x1  }
0x44: {  	v3 =	vperm.xlane v3, v2;
	v4 =	vadd.s32 v1, v4;
	_ =	sdelay $0x1  }
0x45: {  	v3 =	vadd.s32 v1, v3;
	_ =	sdelay $0x2  }
0x46: {  	[tilespmem:s16], [sflag:$0x1] =	stream.indirect_vreg.gather [hbm4b:s3+s2], $0x80, v4, vm0, $0xb8;
	[tilespmem:$0x8080] =	vst v63  }
0x47: {  	_ = 	snop  }
0x48: {  	[tilespmem:s17], [sflag:$0x1] =	stream.indirect_vreg.gather [hbm4b:s3+s2], $0x80, v3, vm0, $0xb8;
	[tilespmem:$0x8080] =	vst v63  }
0x49: {  	v3 =	vld [tilespmem:$0x50];
	_ =	sdelay $0x4  }
0x4a: {  	v61 =	vshll.u32 v3, $0x1  }
0x4b: {  	v3 =	vand.u32 $0x7, v3;
	v4 =	vand.u32 $0xFFFFFFF0, v61  }
0x4c: {  	v3 =	vor.u32 v3, v4  }
0x4d: {  	v4 =	vperm.xlane v3, v0;
	_ =	sdelay $0x1  }
0x4e: {  	v3 =	vperm.xlane v3, v2;
	v4 =	vadd.s32 v1, v4;
	_ =	sdelay $0x1  }
0x4f: {  	v3 =	vadd.s32 v1, v3;
	_ =	sdelay $0x2  }
0x50: {  	[tilespmem:s18], [sflag:$0x1] =	stream.indirect_vreg.gather [hbm4b:s3+s2], $0x80, v4, vm0, $0xb8;
	[tilespmem:$0x8080] =	vst v63  }
0x51: {  	_ = 	snop  }
0x52: {  	[tilespmem:s19], [sflag:$0x1] =	stream.indirect_vreg.gather [hbm4b:s3+s2], $0x80, v3, vm0, $0xb8;
	[tilespmem:$0x8080] =	vst v63  }
0x53: {  	v3 =	vld [tilespmem:$0x60];
	_ =	sdelay $0x4  }
0x54: {  	v62 =	vshll.u32 v3, $0x1  }
0x55: {  	v3 =	vand.u32 $0x7, v3;
	v4 =	vand.u32 $0xFFFFFFF0, v62  }
0x56: {  	v3 =	vor.u32 v3, v4  }
0x57: {  	v4 =	vperm.xlane v3, v0;
	_ =	sdelay $0x1  }
0x58: {  	v3 =	vperm.xlane v3, v2;
	v4 =	vadd.s32 v1, v4;
	_ =	sdelay $0x1  }
0x59: {  	v3 =	vadd.s32 v1, v3;
	_ =	sdelay $0x2  }
0x5a: {  	[tilespmem:s20], [sflag:$0x1] =	stream.indirect_vreg.gather [hbm4b:s3+s2], $0x80, v4, vm0, $0xb8;
	[tilespmem:$0x8080] =	vst v63  }
0x5b: {  	_ = 	snop  }
0x5c: {  	[tilespmem:s21], [sflag:$0x1] =	stream.indirect_vreg.gather [hbm4b:s3+s2], $0x80, v3, vm0, $0xb8;
	[tilespmem:$0x8080] =	vst v63  }
0x5d: {  	v3 =	vld [tilespmem:$0x70];
	_ =	sdelay $0x4  }
0x5e: {  	v63 =	vshll.u32 v3, $0x1  }
0x5f: {  	v3 =	vand.u32 $0x7, v3;
	v4 =	vand.u32 $0xFFFFFFF0, v63  }
0x60: {  	v3 =	vor.u32 v3, v4  }
0x61: {  	v4 =	vperm.xlane v3, v0;
	_ =	sdelay $0x1  }
0x62: {  	v3 =	vperm.xlane v3, v2;
	v4 =	vadd.s32 v1, v4;
	_ =	sdelay $0x1  }
0x63: {  	v3 =	vadd.s32 v1, v3;
	_ =	sdelay $0x2  }
0x64: {  	[tilespmem:s22], [sflag:$0x1] =	stream.indirect_vreg.gather [hbm4b:s3+s2], $0x80, v4, vm0, $0xb8;
	[tilespmem:$0x8080] =	vst v63  }
0x65: {  	_ = 	snop  }
0x66: {  	[tilespmem:s23], [sflag:$0x1] =	stream.indirect_vreg.gather [hbm4b:s3+s2], $0x80, v3, vm0, $0xb8;
	[tilespmem:$0x8080] =	vst v63  }
0x67: {  	_ =	swait.ge [sflag:s24], $0x8000  }
0x68: {  	p0 =	sne.s32 s28, $0xF0;
	[sflag:s24] =	ssyncset.done $0x0  }
.Ltmp0:
0x69: {  	[sflag:s24] =	ssyncadd.s32 $0xFFFF8000;
	(pc) =	sbr.rel @p0 .LBB2_2-.Ltmp0, $4  }
0x6a: {  	[hbm4b:s26+s2] =	stream.linear.scatter [tilespmem:s8], [sflag:$0x2], $0x8000, $0x38;
	[tilespmem:$0x8080] =	vst v63  }
0x6b: {  	_ =	swait.ge [sflag:s7], $0x8000  }
0x6c: {  	[sflag:s7] =	ssyncset.done $0x0  }
0x6d: {  	s28 =	sadd.s32 $0x10, s28;
	s26 =	sadd.s32 $0x1000, s26;
	[sflag:s7] =	ssyncadd.s32 $0xFFFF8000  }
0x6e: {  	s25 =	sadd.s32 $0x1, s25  }
0x6f: {  	p0 =	sne.s32 s25, s4  }
.Ltmp1:
0x70: {  	_ = 	snop;
	(pc) =	sbr.rel @p0 .LBB2_1-.Ltmp1, $1  }
0x71: {  	_ =	sdelay $0x3  }
0x72: {  	_ =	sfence.sel $0x180000  }
0x73: {  	[bflag:$0x0] =	sbarrier.arrive $0xFFFF  }
0x74: {  	p0 =	sne.s32 s1, $0x0;
	_ =	strace $0x9000004A  }
0x75: {  	s0 =	sadd.s32 @!p0 $0x100000, s0;
	[bflag:$0x2] =	sbarrier.arrive $0xFFFF  }
0x76: {  	[sflag:s0] =	ssyncadd.tile.s32 @!p0 $0x1;
	_ =	shalt  }
.Lfunc_end2:
_tile_overlayer_lowered:
.L_overlay_start_2:
0x77: {  	(tag) =	ssettag $0x2  }
0x78: {  	s0 =	rddreg [dreg:$0x0];
	s2 =	stileid.u32  }
0x79: {  	s1 =	rddreg [dreg:$0x1];
	p0 =	sne.s32 s2, $0x0  }
0x7a: {  	s3 =	rddreg [dreg:$0x2];
	[bflag:$0x3] =	sbarrier.arrive $0xFFFF;
	s2 =	simm.s32 @!p0 $0x1C02  }
0x7b: {  	[timem:s3], [sflag:s2] =	dma.local @!p0 [hbm:s0], s1  }
0x7c: {  	s0 =	simm.s32 @!p0 $0x2  }
0x7d: {  	_ =	swait.ge @!p0 [sflag:s0], s1  }
0x7e: {  	s1 =	ssub.s32 @!p0 $0x0, s1;
	[sflag:s0] =	ssyncset.done @!p0 $0x0  }
0x7f: {  	[sflag:s0] =	ssyncadd.s32 @!p0 s1  }
0x80: {  	[bflag:$0x3] =	sbarrier.arrive $0xFFFF  }
0x81: {  	_ =	shalt  }

// kernel: kernel.7.cloned.1.call-start
scs
__scs_entry_jumppad:
0x0: {  	(pc) =	sbr.rel $0x88, $3  }
0x1: {  	(tag) =	ssettag $0x0;
	lr =	simm.s32 $0x1  }
0x2: {  	[smem:$0x3F9E] =	sst lr;
	_ =	strace $0xD0000000  }
0x3: {  	_ = 	snop  }
0x4: {  	_ = 	snop  }
0x5: {  	_ = 	snop  }
0x6: {  	_ = 	snop  }
0x7: {  	_ = 	snop  }
__scs_overlays_trampoline_lowered:
0x8: {  	[smem:$0x3FAD] =	sst s0  }
0x9: {  	[smem:$0x3FAE] =	sst s1  }
0xa: {  	[smem:$0x3FAF] =	sst s2  }
0xb: {  	[smem:$0x3FB0] =	sst s3  }
0xc: {  	[smem:$0x3FB1] =	sst s4  }
0xd: {  	[smem:$0x3FB2] =	sst s5  }
0xe: {  	[smem:$0x3FB3] =	sst s6  }
0xf: {  	[smem:$0x3FB4] =	sst s7  }
0x10: {  	[smem:$0x3FB5] =	sst s8  }
0x11: {  	[smem:$0x3FB6] =	sst s9;
	s0 =	simm.s32 @!p0 $0x0  }
0x12: {  	s1 =	sld [smem:$0x3F9C];
	s0 =	simm.s32 @p0 $0x1  }
0x13: {  	[smem:$0x3FB7] =	sst s0;
	s0 =	simm.s32 @!p1 $0x0  }
0x14: {  	s2 =	sld [smem:$0x3F9B];
	s0 =	simm.s32 @p1 $0x1  }
0x15: {  	[smem:$0x3FB8] =	sst s0;
	s0 =	simm.s32 @!p2 $0x0  }
0x16: {  	s3 =	sld [smem:$0x3FDB];
	s0 =	simm.s32 @p2 $0x1  }
0x17: {  	s4 =	simm.s32 $0x1BF5;
	[smem:$0x3FBA] =	sst s0  }
0x18: {  	s0 =	sld [smem:$0x3F9D];
	_ =	swait.ge [sflag:s4], $0x0  }
0x19: {  	s7 =	sld [smem:$0x3F9E]  }
0x1a: {  	s8 =	sadd.s32 $0xFFFFE003, lr  }
0x1b: {  	s9 =	sadd.s32 $0xFFFFFEF7, lr;
	s5 =	simm.s32 $0xFFFFFFFF;
	p2 =	slt.u32 s8, $0xFFFFF086  }
0x1c: {  	p1 =	slt.u32 s9, $0xF7A;
	s5 =	simm.s32 @!p2 $0x0  }
0x1d: {  	s5 =	simm.s32 @p1 $0x1;
	p0 =	seq.s32 s7, s2  }
0x1e: {  	s7 =	smul.u32 @!p0 $0xF7A, s2;
	p2 =	seq.s32 @!p0 s5, $0x0  }
0x1f: {  	s9 =	smul.u32 $0xF7A, s1;
	s8 =	simm.s32 @!p0 $0x1BF5;
	p2 =	por !p2, p0  }
0x20: {  	[sflag:s8] =	ssyncset.s32 @!p0 $0xFFFFF086;
	s6 =	sadd.s32 @!p0 s3, s7;
	s7 =	simm.s32 @!p0 $0x108  }
0x21: {  	s3 =	sadd.s32 s3, s9;
	s6 =	sadd.s32 @!p0 $0x88, s6;
	s7 =	simm.s32 @p2 $0x1082  }
0x22: {  	[simem:s7], [sflag:s8] =	dma.local @!p0 [hbm:s6], $0xF7A  }
0x23: {  	s9 =	sor.u32 $0xD0000000, s2;
	s6 =	simm.s32 $0x108;
	_ =	swait.ge @!p0 [sflag:s8], $0x0  }
0x24: {  	s3 =	sadd.s32 $0x88, s3;
	s6 =	simm.s32 @!p1 $0x1082;
	[sflag:s4] =	ssyncset.s32 $0xFFFFF086  }
0x25: {  	[simem:s6], [sflag:s4] =	dma.local [hbm:s3], $0xF7A  }
0x26: {  	[smem:$0x3F9E] =	sst s1;
	(tag) =	ssettag s2;
	_ =	strace s9  }
0x27: {  	s1 =	sld [smem:$0x3FAE]  }
0x28: {  	s2 =	sld [smem:$0x3FAF]  }
0x29: {  	s4 =	sld [smem:$0x3FB1]  }
0x2a: {  	p0 =	seq.s32 s5, $0x0;
	s5 =	sld [smem:$0x3FB2]  }
0x2b: {  	s6 =	sld [smem:$0x3FB3]  }
0x2c: {  	s7 =	sld [smem:$0x3FB4]  }
0x2d: {  	s3 =	simm.s32 $0x108;
	s8 =	sld [smem:$0x3FB5]  }
0x2e: {  	s3 =	simm.s32 @!p0 $0x1082;
	s9 =	sld [smem:$0x3FB6]  }
0x2f: {  	lr =	sadd.s32 s0, s3;
	s0 =	sld [smem:$0x3FAD]  }
0x30: {  	s3 =	sld [smem:$0x3FB0]  }
0x31: {  	[smem:$0x3FB9] =	sst s10  }
0x32: {  	s10 =	sld [smem:$0x3FB7];
	_ =	sdelay $0x3  }
0x33: {  	p0 =	seq.s32 s10, $0x1;
	s10 =	sld [smem:$0x3FB9];
	_ =	sdelay $0x3  }
0x34: {  	[smem:$0x3FB9] =	sst s10  }
0x35: {  	s10 =	sld [smem:$0x3FB8];
	_ =	sdelay $0x3  }
0x36: {  	p1 =	seq.s32 s10, $0x1;
	s10 =	sld [smem:$0x3FB9];
	_ =	sdelay $0x3  }
0x37: {  	[smem:$0x3FB9] =	sst s10  }
0x38: {  	s10 =	sld [smem:$0x3FBA]  }
0x39: {  	_ = 	snop;
	(pc) =	sbr.ind lr, $3  }
0x3a: {  	_ = 	snop  }
0x3b: {  	_ = 	snop  }
0x3c: {  	p2 =	seq.s32 s10, $0x1;
	s10 =	sld [smem:$0x3FB9]  }
0x3d: {  	_ =	shalt  }
0x3e: {  	_ =	shalt  }
0x3f: {  	_ =	shalt  }
0x40: {  	_ =	shalt  }
0x41: {  	_ =	shalt  }
0x42: {  	_ =	shalt  }
0x43: {  	_ =	shalt  }
0x44: {  	_ =	shalt  }
0x45: {  	_ =	shalt  }
0x46: {  	_ =	shalt  }
0x47: {  	_ =	shalt  }
0x48: {  	_ =	shalt  }
0x49: {  	_ =	shalt  }
0x4a: {  	_ =	shalt  }
0x4b: {  	_ =	shalt  }
0x4c: {  	_ =	shalt  }
0x4d: {  	_ =	shalt  }
0x4e: {  	_ =	shalt  }
0x4f: {  	_ =	shalt  }
0x50: {  	_ =	shalt  }
0x51: {  	_ =	shalt  }
0x52: {  	_ =	shalt  }
0x53: {  	_ =	shalt  }
0x54: {  	_ =	shalt  }
0x55: {  	_ =	shalt  }
0x56: {  	_ =	shalt  }
0x57: {  	_ =	shalt  }
0x58: {  	_ =	shalt  }
0x59: {  	_ =	shalt  }
0x5a: {  	_ =	shalt  }
0x5b: {  	_ =	shalt  }
0x5c: {  	_ =	shalt  }
0x5d: {  	_ =	shalt  }
0x5e: {  	_ =	shalt  }
0x5f: {  	_ =	shalt  }
0x60: {  	_ =	shalt  }
0x61: {  	_ =	shalt  }
0x62: {  	_ =	shalt  }
0x63: {  	_ =	shalt  }
0x64: {  	_ =	shalt  }
0x65: {  	_ =	shalt  }
0x66: {  	_ =	shalt  }
0x67: {  	_ =	shalt  }
0x68: {  	_ =	shalt  }
0x69: {  	_ =	shalt  }
0x6a: {  	_ =	shalt  }
0x6b: {  	_ =	shalt  }
0x6c: {  	_ =	shalt  }
0x6d: {  	_ =	shalt  }
0x6e: {  	_ =	shalt  }
0x6f: {  	_ =	shalt  }
0x70: {  	_ =	shalt  }
0x71: {  	_ =	shalt  }
0x72: {  	_ =	shalt  }
0x73: {  	_ =	shalt  }
0x74: {  	_ =	shalt  }
0x75: {  	_ =	shalt  }
0x76: {  	_ =	shalt  }
0x77: {  	_ =	shalt  }
0x78: {  	_ =	shalt  }
0x79: {  	_ =	shalt  }
0x7a: {  	_ =	shalt  }
0x7b: {  	_ =	shalt  }
0x7c: {  	_ =	shalt  }
0x7d: {  	_ =	shalt  }
0x7e: {  	_ =	shalt  }
0x7f: {  	_ =	shalt  }
0x80: {  	_ =	shalt  }
0x81: {  	_ =	shalt  }
0x82: {  	_ =	shalt  }
0x83: {  	_ =	shalt  }
0x84: {  	_ =	shalt  }
0x85: {  	_ =	shalt  }
0x86: {  	_ =	shalt  }
0x87: {  	_ =	shalt  }
.Lfunc_end0:
.L_simem_size_0:
called_computation_lowered:
.L_overlay_start_0:
0x88: {  	s2 =	sld [smem:$0x3FD9]  }
0x89: {  	s3 =	sld [smem:$0x3FFE];
	_ =	sdelay $0x1  }
0x8a: {  	s1 =	srdreg.scid  }
0x8b: {  	s0 =	sand.u32 $0x1, s1  }
0x8c: {  	s17 =	sshll.u32 s0, $0xA;
	s2 =	sadd.s32 s3, s2  }
0x8d: {  	s2 =	sadd.s32 s2, s17  }
0x8e: {  	[smem:$0x3FC5] =	sst s2  }
0x8f: {  	_ = 	snop  }
0x90: {  	s2 =	sld [smem:$0x3FD0];
	(tm) =	ssettm $0x1  }
0x91: {  	s18 =	sld [smem:$0x3FFB];
	_ =	sdelay $0x3  }
0x92: {  	_ =	strace s18  }
0x93: {  	s3 =	sld [smem:$0x3FFC];
	_ =	sdelay $0x3  }
0x94: {  	_ =	strace s3  }
0x95: {  	s3 =	sld [smem:$0x3FFD];
	_ =	sdelay $0x3  }
0x96: {  	_ =	strace s3  }
0x97: {  	_ =	strace $0x8FFFFFFF  }
0x98: {  	s19 =	sld [smem:$0x3FDB];
	_ =	sdelay $0x1  }
0x99: {  	s4 =	simm.s32 $_scs_section_size  }
0x9a: {  	s5 =	simm.s32 $_size__tile_overlayer_lowered;
	s6 =	simm.s32 $_tile_overlayer_lowered  }
0x9b: {  	s22 =	simm.s32 $0x1BFF;
	s21 =	sshll.u32 s6, $0x1;
	s3 =	sadd.s32 s4, s19  }
0x9c: {  	s7 =	simm.s32 $0x0;
	s20 =	sshll.u32 s5, $0x1;
	s5 =	sadd.s32 s21, s3  }
0x9d: {  	[timem:s7], [sflag:s22] =	dma.local [hbm:s5], s20  }
0x9e: {  	_ =	swait.ge [sflag:s22], s20  }
0x9f: {  	s4 =	ssub.s32 $0x0, s20;
	[sflag:s22] =	ssyncset.done $0x0  }
0xa0: {  	[sflag:s22] =	ssyncadd.s32 s4;
	_ =	sdelay $0x1  }
0xa1: {  	s23 =	simm.s32 $0x1B8B  }
0xa2: {  	_ =	swait.ge [sflag:s23], $0x1  }
0xa3: {  	[sflag:s23] =	ssyncset.done $0x0  }
0xa4: {  	s25 =	simm.s32 $0x1B8E;
	s24 =	sld [smem:$0x3FFE];
	[sflag:s23] =	ssyncadd.s32 $0xFFFFFFFF  }
0xa5: {  	s26 =	simm.s32 $execute0_lowered;
	[smem:$0x3FD2] =	sst s25  }
0xa6: {  	s5 =	sshll.u32 s26, $0x1;
	_ =	strace $0x80000046;
	[dreg:$0x1] =	wrdreg $0xFFFFFFFF  }
0xa7: {  	s28 =	simm.s32 $_size_execute0_lowered;
	s3 =	sadd.s32 s3, s5;
	[dreg:$0x0] =	wrdreg $0x0  }
0xa8: {  	s5 =	sshll.u32 s28, $0x1;
	[dreg:$0x2] =	wrdreg s3  }
0xa9: {  	[dreg:$0x3] =	wrdreg s5  }
0xaa: {  	[dreg:$0x4] =	wrdreg $0xC0  }
0xab: {  	_ =	task [dreg:s7], $0x5FFFF  }
0xac: {  	[dreg:$0x1] =	wrdreg $0xFFFFFFFF  }
0xad: {  	[dreg:$0x0] =	wrdreg $0x60  }
0xae: {  	[dreg:$0x2] =	wrdreg s24  }
0xaf: {  	[dreg:$0x3] =	wrdreg s2  }
0xb0: {  	[dreg:$0x4] =	wrdreg $0x9  }
0xb1: {  	_ =	task.clear_ibuf [dreg:s7], $0x5FFFF;
	_ =	strace $0x90000046  }
0xb2: {  	s29 =	simm.s32 $0x9;
	_ =	strace $0x80000048  }
0xb3: {  	_ =	swait.ge [sflag:s29], $0x1  }
0xb4: {  	[sflag:s29] =	ssyncadd.s32 $0xFFFFFFFF  }
0xb5: {  	_ =	strace $0x90000048  }
0xb6: {  	_ =	sfence  }
0xb7: {  	s30 =	sld [smem:$0x0];
	_ =	sdelay $0x2  }
0xb8: {  	s31 =	sshll.u32 s1, $0xD;
	s1 =	sshrl.u32 s1, $0x2  }
0xb9: {  	s3 =	sand.u32 $0x4000, s31;
	s1 =	sadd.s32 s1, s30  }
0xba: {  	s0 =	sor.u32 s3, s0;
	s1 =	sshll.u32 s1, $0x11  }
0xbb: {  	s0 =	sor.u32 s1, s0  }
0xbc: {  	s0 =	sadd.s32 $0x8F2B, s0  }
0xbd: {  	[sflag:s0] =	ssyncadd.remote.s32 $0x1  }
0xbe: {  	_ =	sfence.sel $0xFFFF  }
0xbf: {  	[dreg:$0x0] =	wrdreg $0xFFFFFFFF;
	(pc) =	sbr.abs _section_cstart, $3  }
0xc0: {  	[dreg:$0x1] =	wrdreg $0xFFFFFFFF  }
0xc1: {  	_ =	task.clear_ibuf [dreg:s7], $0x2FFFF;
	_ =	strace $0x9FFFFFFF  }
0xc2: {  	(tm) =	ssettm $0x7FFFFFFF  }
0xc3: {  	_ =	shalt  }
tec
execute0_lowered:
.L_overlay_start_1:
0x0: {  	(tag) =	ssettag $0x1  }
0x1: {  	s4 =	rddreg [dreg:$0x0]  }
0x2: {  	s5 =	rddreg [dreg:$0x1]  }
0x3: {  	s0 =	rddreg [dreg:$0x2];
	s3 =	srdreg.scid  }
0x4: {  	s2 =	simm.s32 $0x0;
	s1 =	stileid.u32;
	s10 =	simm.s32 $0x0  }
0x5: {  	s6 =	sand.u32 $0x1, s3;
	[smem:$0x7FF] =	sst s2;
	s29 =	sshll.u32 s1, $0xC  }
0x6: {  	s3 =	sadd.s32 $0xF57200, s4;
	s31 =	sshll.u32 s1, $0x10;
	s7 =	sshll.u32 s6, $0xB  }
0x7: {  	_ =	strace $0x80000047;
	s8 =	ssub.s32 $0x2, s6;
	s5 =	sadd.s32 s31, s5  }
0x8: {  	s6 =	sshll.u32 s6, $0xF;
	s7 =	sor.u32 s7, s29;
	s9 =	sshrl.u32 s8, $0x1  }
0x9: {  	s5 =	sadd.s32 s6, s5;
	s7 =	sshrl.u32 s7, $0x3;
	s30 =	ssub.s32 s8, s9  }
0xa: {  	s8 =	simm.s32 $0x80;
	s9 =	simm.s32 $0x1;
	s7 =	sadd.s32 s7, s4  }
0xb: {  	s4 =	smax.u32 s30, $0x1;
	s6 =	sadd.s32 $0xF55200, s7;
	s7 =	simm.s32 $0x2  }
.LBB2_1:
0xc: {  	s11 =	sadd.s32 $0x0, s6  }
0xd: {  	[tilespmem:s2], [sflag:$0x2] =	stream.linear.gather [hbm4b:s11+s2], $0x80, $0x38;
	[tilespmem:$0x4080] =	vst v63  }
0xe: {  	_ =	swait.ge [sflag:s7], $0x80  }
0xf: {  	[sflag:s7] =	ssyncset.done $0x0  }
0x10: {  	[sflag:s7] =	ssyncadd.s32 $0xFFFFFF80  }
0x11: {  	[tilespmem:s8], [sflag:$0x1] =	stream.indirect.gather [hbm4b:s3+s8], $0x80, s2, s8, $0xb8;
	[tilespmem:$0x4080] =	vst v63  }
0x12: {  	_ =	swait.ge [sflag:s9], $0x4000  }
0x13: {  	[sflag:s9] =	ssyncset.done $0x0  }
0x14: {  	[sflag:s9] =	ssyncadd.s32 $0xFFFFC000  }
0x15: {  	[hbm4b:s5+s2] =	stream.linear.scatter [tilespmem:s8], [sflag:$0x2], $0x4000, $0x38;
	[tilespmem:$0x4080] =	vst v63  }
0x16: {  	s12 =	simm.s32 $0x10;
	_ =	swait.ge [sflag:s7], $0x4000  }
0x17: {  	s13 =	simm.s32 $0x20;
	s11 =	sadd.s32 $0x800, s5;
	[sflag:s7] =	ssyncset.done $0x0  }
.LBB2_2:
0x18: {  	s14 =	sadd.s32 s12, s6  }
0x19: {  	[sflag:s7] =	ssyncadd.s32 $0xFFFFC000;
	s12 =	smov.u32 s13;
	s15 =	sadd.s32 $0x10, s13  }
0x1a: {  	[tilespmem:s2], [sflag:$0x2] =	stream.linear.gather [hbm4b:s14+s2], $0x80, $0x38;
	[tilespmem:$0x4080] =	vst v63  }
0x1b: {  	p0 =	sne.s32 s13, $0xF0;
	_ =	swait.ge [sflag:s7], $0x80  }
0x1c: {  	[sflag:s7] =	ssyncset.done $0x0  }
0x1d: {  	[sflag:s7] =	ssyncadd.s32 $0xFFFFFF80  }
0x1e: {  	[tilespmem:s8], [sflag:$0x1] =	stream.indirect.gather [hbm4b:s3+s8], $0x80, s2, s8, $0xb8;
	[tilespmem:$0x4080] =	vst v63  }
0x1f: {  	_ =	swait.ge [sflag:s9], $0x4000  }
.Ltmp0:
0x20: {  	[sflag:s9] =	ssyncset.done $0x0;
	(pc) =	sbr.rel @p0 .LBB2_2-.Ltmp0, $4  }
0x21: {  	[sflag:s9] =	ssyncadd.s32 $0xFFFFC000  }
0x22: {  	[hbm4b:s11+s2] =	stream.linear.scatter [tilespmem:s8], [sflag:$0x2], $0x4000, $0x38;
	[tilespmem:$0x4080] =	vst v63  }
0x23: {  	_ =	swait.ge [sflag:s7], $0x4000  }
0x24: {  	s13 =	smov.u32 s15;
	s11 =	sadd.s32 $0x800, s11;
	[sflag:s7] =	ssyncset.done $0x0  }
0x25: {  	s12 =	sadd.s32 s12, s6;
	[sflag:s7] =	ssyncadd.s32 $0xFFFFC000  }
0x26: {  	[tilespmem:s2], [sflag:$0x2] =	stream.linear.gather [hbm4b:s12+s2], $0x80, $0x38;
	[tilespmem:$0x4080] =	vst v63  }
0x27: {  	_ =	swait.ge [sflag:s7], $0x80  }
0x28: {  	[sflag:s7] =	ssyncset.done $0x0  }
0x29: {  	[sflag:s7] =	ssyncadd.s32 $0xFFFFFF80  }
0x2a: {  	[tilespmem:s8], [sflag:$0x1] =	stream.indirect.gather [hbm4b:s3+s8], $0x80, s2, s8, $0xb8;
	[tilespmem:$0x4080] =	vst v63  }
0x2b: {  	s10 =	sadd.s32 $0x1, s10;
	_ =	swait.ge [sflag:s9], $0x4000  }
0x2c: {  	p0 =	sne.s32 s10, s4;
	[sflag:s9] =	ssyncset.done $0x0  }
.Ltmp1:
0x2d: {  	[sflag:s9] =	ssyncadd.s32 $0xFFFFC000;
	(pc) =	sbr.rel @p0 .LBB2_1-.Ltmp1, $4  }
0x2e: {  	[hbm4b:s11+s2] =	stream.linear.scatter [tilespmem:s8], [sflag:$0x2], $0x4000, $0x38;
	[tilespmem:$0x4080] =	vst v63  }
0x2f: {  	_ =	swait.ge [sflag:s7], $0x4000  }
0x30: {  	[sflag:s7] =	ssyncset.done $0x0  }
0x31: {  	[sflag:s7] =	ssyncadd.s32 $0xFFFFC000  }
0x32: {  	_ =	sfence.sel $0x180000  }
0x33: {  	[bflag:$0x0] =	sbarrier.arrive $0xFFFF  }
0x34: {  	p0 =	sne.s32 s1, $0x0;
	_ =	strace $0x90000047  }
0x35: {  	s0 =	sadd.s32 @!p0 $0x100000, s0;
	[bflag:$0x2] =	sbarrier.arrive $0xFFFF  }
0x36: {  	[sflag:s0] =	ssyncadd.tile.s32 @!p0 $0x1;
	_ =	shalt  }
.Lfunc_end2:
_tile_overlayer_lowered:
.L_overlay_start_2:
0x37: {  	(tag) =	ssettag $0x2  }
0x38: {  	s0 =	rddreg [dreg:$0x0];
	s2 =	stileid.u32  }
0x39: {  	s1 =	rddreg [dreg:$0x1];
	p0 =	sne.s32 s2, $0x0  }
0x3a: {  	s3 =	rddreg [dreg:$0x2];
	[bflag:$0x3] =	sbarrier.arrive $0xFFFF;
	s2 =	simm.s32 @!p0 $0x1C02  }
0x3b: {  	[timem:s3], [sflag:s2] =	dma.local @!p0 [hbm:s0], s1  }
0x3c: {  	s0 =	simm.s32 @!p0 $0x2  }
0x3d: {  	_ =	swait.ge @!p0 [sflag:s0], s1  }
0x3e: {  	s1 =	ssub.s32 @!p0 $0x0, s1;
	[sflag:s0] =	ssyncset.done @!p0 $0x0  }
0x3f: {  	[sflag:s0] =	ssyncadd.s32 @!p0 s1  }
0x40: {  	[bflag:$0x3] =	sbarrier.arrive $0xFFFF  }
0x41: {  	_ =	shalt  }

</sc_bundles>
